<compile_context>
chip_gen: v7x
topology: tpu7x:2x2x1
jax: 0.10.2.dev20260603
libtpu: 0.0.44.dev20260713+nightly
codegen_flags: <defaults>
</compile_context>

<pallas_src>
import functools

import jax
import jax.numpy as jnp
from jax import lax
from jax.experimental import pallas as pl
from jax.experimental.pallas import tpu as pltpu
from jax.experimental.pallas import tpu_sc as plsc

VOCAB = 1000000
EMB = 32
NUM_SAMPLED = 64
BATCH = 16384

NUM_CORES = 2
NUM_SUBCORES = 16
NW = NUM_CORES * NUM_SUBCORES
BPW = BATCH // NW

TC_BLK = 512
TC_GRID = BATCH // TC_BLK


def _sc_gather_body(emb_hbm, nce_hbm, bias_hbm, idx_hbm, lab_hbm, samp_hbm,
                    embed_o, truew_o, trueb_o, sampw_o, sampb_o,
                    idx_v, lab_v, rows_a, rows_b, brow, sidx, srow, sbrow,
                    sem_a, sem_b, sem_c, sem_s, sem_t):
    wid = lax.axis_index("s") * NUM_CORES + lax.axis_index("c")
    base = wid * BPW
    pltpu.sync_copy(idx_hbm.at[pl.ds(base, BPW)], idx_v)
    pltpu.sync_copy(lab_hbm.at[pl.ds(base, BPW)], lab_v)
    ca = pltpu.async_copy(emb_hbm.at[idx_v], rows_a, sem_a)
    cb = pltpu.async_copy(nce_hbm.at[lab_v], rows_b, sem_b)
    cc = pltpu.async_copy(bias_hbm.at[lab_v], brow, sem_c)
    ca.wait()
    pltpu.sync_copy(rows_a, embed_o.at[pl.ds(base, BPW)])
    cb.wait()
    pltpu.sync_copy(rows_b, truew_o.at[pl.ds(base, BPW)])
    cc.wait()
    pltpu.sync_copy(brow, trueb_o.at[pl.ds(base, BPW)])

    @pl.when(wid == 0)
    def _sampled():
        pltpu.sync_copy(samp_hbm, sidx)
        cs = pltpu.async_copy(nce_hbm.at[sidx], srow, sem_s)
        ct = pltpu.async_copy(bias_hbm.at[sidx], sbrow, sem_t)
        cs.wait()
        pltpu.sync_copy(srow, sampw_o)
        ct.wait()
        pltpu.sync_copy(sbrow, sampb_o)


@functools.cache
def _sc_gather():
  return pl.kernel(
    _sc_gather_body,
    out_type=(
        jax.ShapeDtypeStruct((BATCH, EMB), jnp.float32),
        jax.ShapeDtypeStruct((BATCH, EMB), jnp.float32),
        jax.ShapeDtypeStruct((BATCH,), jnp.float32),
        jax.ShapeDtypeStruct((NUM_SAMPLED, EMB), jnp.float32),
        jax.ShapeDtypeStruct((NUM_SAMPLED,), jnp.float32),
    ),
    mesh=plsc.VectorSubcoreMesh(core_axis_name="c", subcore_axis_name="s",
                                num_cores=NUM_CORES,
                                num_subcores=NUM_SUBCORES),
    scratch_types=[
        pltpu.VMEM((BPW,), jnp.int32),
        pltpu.VMEM((BPW,), jnp.int32),
        pltpu.VMEM((BPW, EMB), jnp.float32),
        pltpu.VMEM((BPW, EMB), jnp.float32),
        pltpu.VMEM((BPW,), jnp.float32),
        pltpu.VMEM((NUM_SAMPLED,), jnp.int32),
        pltpu.VMEM((NUM_SAMPLED, EMB), jnp.float32),
        pltpu.VMEM((NUM_SAMPLED,), jnp.float32),
        pltpu.SemaphoreType.DMA,
        pltpu.SemaphoreType.DMA,
        pltpu.SemaphoreType.DMA,
        pltpu.SemaphoreType.DMA,
        pltpu.SemaphoreType.DMA,
    ],
    compiler_params=pltpu.CompilerParams(use_tc_tiling_on_sc=False),
  )


def _xent_pos(x):
    return jnp.maximum(x, 0.0) - x + jnp.log1p(jnp.exp(-jnp.abs(x)))


def _xent_neg(x):
    return jnp.maximum(x, 0.0) + jnp.log1p(jnp.exp(-jnp.abs(x)))


def _log_q(ids_f32):
    return (jnp.log(ids_f32 + 2.0) - jnp.log(ids_f32 + 1.0)) / jnp.log(
        float(VOCAB) + 1.0)


def _tc_loss_body(embed_ref, truew_ref, trueb_ref, lab_ref, sampw_ref,
                  sampb_ref, samp_ref, out_ref):
    i = pl.program_id(0)

    @pl.when(i == 0)
    def _init():
        out_ref[...] = jnp.zeros_like(out_ref)

    e = embed_ref[...]
    tw = truew_ref[...]
    tb = trueb_ref[...]
    lab = lab_ref[...].astype(jnp.float32)

    true_logits = (jnp.sum(e * tw, axis=1, keepdims=True) + tb
                   - jnp.log(_log_q(lab) * float(NUM_SAMPLED)))

    samp = samp_ref[...].astype(jnp.float32)
    logq_s = jnp.log(_log_q(samp) * float(NUM_SAMPLED))
    sampled_logits = lax.dot_general(
        e, sampw_ref[...], (((1,), (1,)), ((), ())),
        preferred_element_type=jnp.float32,
        precision=lax.Precision.HIGHEST)
    sampled_logits = sampled_logits + sampb_ref[...] - logq_s

    partial = jnp.sum(_xent_pos(true_logits)) + jnp.sum(_xent_neg(sampled_logits))
    out_ref[...] += jnp.full((1, 1), 1.0 / float(BATCH),
                             dtype=jnp.float32) * partial


def _tc_loss(embed, true_w, true_b, labels, sampled_w, sampled_b, samp):
    return pl.pallas_call(
        _tc_loss_body,
        grid=(TC_GRID,),
        in_specs=[
            pl.BlockSpec((TC_BLK, EMB), lambda i: (i, 0)),
            pl.BlockSpec((TC_BLK, EMB), lambda i: (i, 0)),
            pl.BlockSpec((TC_BLK, 1), lambda i: (i, 0)),
            pl.BlockSpec((TC_BLK, 1), lambda i: (i, 0)),
            pl.BlockSpec((NUM_SAMPLED, EMB), lambda i: (0, 0)),
            pl.BlockSpec((1, NUM_SAMPLED), lambda i: (0, 0)),
            pl.BlockSpec((1, NUM_SAMPLED), lambda i: (0, 0)),
        ],
        out_specs=pl.BlockSpec((1, 1), lambda i: (0, 0)),
        out_shape=jax.ShapeDtypeStruct((1, 1), jnp.float32),
    )(embed, true_w, true_b, labels, sampled_w, sampled_b, samp)


def kernel(inputs, train_labels, embeddings, nce_weights, nce_biases):
    inputs = inputs.astype(jnp.int32)
    labels = train_labels.reshape(-1).astype(jnp.int32)

    u = jax.random.uniform(jax.random.key(42), (NUM_SAMPLED,))
    s = jnp.floor(jnp.exp(u * jnp.log(float(VOCAB) + 1.0))) - 1.0
    samp = jnp.clip(s, 0, VOCAB - 1).astype(jnp.int32)

    embed, true_w, true_b, sampled_w, sampled_b = _sc_gather()(
        embeddings, nce_weights, nce_biases, inputs, labels, samp)

    nce_cost = _tc_loss(embed, true_w, true_b.reshape(BATCH, 1),
                        labels.reshape(BATCH, 1), sampled_w,
                        sampled_b.reshape(1, NUM_SAMPLED),
                        samp.reshape(1, NUM_SAMPLED))

    return embed, nce_cost[0, 0]

# --- scband reference (transcript-rebuilt; emitter-appended) ---
"""Pipeline reference for scband-word2vec-embedding-inputlayer-73744588472737 (READ-ONLY COPY).

The authoritative reference and input builder live on the scoring server;
editing this copy changes nothing except your own understanding.
"""

import jax, jax.numpy as jnp
import numpy as np

VOCAB = 1000000
EMB = 32
NUM_SAMPLED = 64
BATCH = 16384


def _log_uniform_sample(key, num, vocab):
    # mimics tf log_uniform_candidate_sampler draws
    u = jax.random.uniform(key, (num,))
    s = jnp.floor(jnp.exp(u * jnp.log(float(vocab) + 1.0))) - 1.0
    return jnp.clip(s, 0, vocab - 1).astype(jnp.int32)


def _log_uniform_prob(ids, vocab):
    idsf = ids.astype(jnp.float32)
    return (jnp.log(idsf + 2.0) - jnp.log(idsf + 1.0)) / jnp.log(float(vocab) + 1.0)


def _sigmoid_xent(logits, labels):
    # numerically stable sigmoid cross entropy, matches tf.nn.sigmoid_cross_entropy_with_logits
    return jnp.maximum(logits, 0.0) - logits * labels + jnp.log1p(jnp.exp(-jnp.abs(logits)))


def setup_inputs(seed: int = 0) -> dict:
    key = jax.random.key(seed)
    k1, k2, k3, k4 = jax.random.split(key, 4)
    inputs = jax.random.randint(k1, (BATCH,), 0, VOCAB)
    train_labels = jax.random.randint(k2, (BATCH, 1), 0, VOCAB)
    # E_init = tf.random_uniform(minval=-1, maxval=1)
    embeddings = jax.random.uniform(k3, (VOCAB, EMB), minval=-1.0, maxval=1.0, dtype=jnp.float32)
    # nce_W_init = tf.truncated_normal(stddev=0.03)
    nce_weights = (jax.random.truncated_normal(k4, -2.0, 2.0, (VOCAB, EMB)) * 0.03).astype(jnp.float32)
    nce_biases = jnp.zeros((VOCAB,), dtype=jnp.float32)
    return {
        "inputs": inputs,
        "train_labels": train_labels,
        "embeddings": embeddings,
        "nce_weights": nce_weights,
        "nce_biases": nce_biases,
    }


def reference(inputs, train_labels, embeddings, nce_weights, nce_biases):
    # embedding lookup (self.outputs)
    embed = jnp.take(embeddings, inputs, axis=0)  # [B, E]

    labels = train_labels.reshape(-1)  # [B]
    sampled = _log_uniform_sample(jax.random.key(42), NUM_SAMPLED, VOCAB)  # [S]

    true_w = jnp.take(nce_weights, labels, axis=0)      # [B, E]
    true_b = jnp.take(nce_biases, labels)               # [B]
    sampled_w = jnp.take(nce_weights, sampled, axis=0)  # [S, E]
    sampled_b = jnp.take(nce_biases, sampled)           # [S]

    true_logits = jnp.sum(embed * true_w, axis=1) + true_b          # [B]
    sampled_logits = embed @ sampled_w.T + sampled_b[None, :]       # [B, S]

    # subtract log expected counts (subtract_log_q=True in tf.nn.nce_loss)
    true_logits = true_logits - jnp.log(_log_uniform_prob(labels, VOCAB) * NUM_SAMPLED)
    sampled_logits = sampled_logits - jnp.log(_log_uniform_prob(sampled, VOCAB) * NUM_SAMPLED)[None, :]

    per_example = _sigmoid_xent(true_logits, 1.0) + jnp.sum(_sigmoid_xent(sampled_logits, 0.0), axis=1)
    nce_cost = jnp.mean(per_example)

    return embed, nce_cost

if __name__ == "__main__":
    import jax
    _d = setup_inputs()
    print(jax.jit(kernel)(*tuple(_d.values())))

</pallas_src>

<mosaic_0001>
#map = affine_map<(d0, d1) -> (0, 0)>
#map1 = affine_map<(d0, d1) -> (0)>
module attributes {stable_mosaic.version = 14 : i64} {
  func.func @_sc_gather_body(%arg0: i32, %arg1: i32, %arg2: memref<1000000x32xf32, #tpu.memory_space<hbm>>, %arg3: memref<1000000x32xf32, #tpu.memory_space<hbm>>, %arg4: memref<1000000xf32, #tpu.memory_space<hbm>>, %arg5: memref<16384xi32, #tpu.memory_space<hbm>>, %arg6: memref<16384xi32, #tpu.memory_space<hbm>>, %arg7: memref<64xi32, #tpu.memory_space<hbm>>, %arg8: memref<16384x32xf32, #tpu.memory_space<hbm>>, %arg9: memref<16384x32xf32, #tpu.memory_space<hbm>>, %arg10: memref<16384xf32, #tpu.memory_space<hbm>>, %arg11: memref<64x32xf32, #tpu.memory_space<hbm>>, %arg12: memref<64xf32, #tpu.memory_space<hbm>>, %arg13: memref<512xi32, #tpu.memory_space<vmem>>, %arg14: memref<512xi32, #tpu.memory_space<vmem>>, %arg15: memref<512x32xf32, #tpu.memory_space<vmem>>, %arg16: memref<512x32xf32, #tpu.memory_space<vmem>>, %arg17: memref<512xf32, #tpu.memory_space<vmem>>, %arg18: memref<64xi32, #tpu.memory_space<vmem>>, %arg19: memref<64x32xf32, #tpu.memory_space<vmem>>, %arg20: memref<64xf32, #tpu.memory_space<vmem>>, %arg21: memref<!tpu.dma_semaphore, #tpu.memory_space<semaphore_mem>>, %arg22: memref<!tpu.dma_semaphore, #tpu.memory_space<semaphore_mem>>, %arg23: memref<!tpu.dma_semaphore, #tpu.memory_space<semaphore_mem>>, %arg24: memref<!tpu.dma_semaphore, #tpu.memory_space<semaphore_mem>>, %arg25: memref<!tpu.dma_semaphore, #tpu.memory_space<semaphore_mem>>) attributes {dimension_semantics = [#tpu.dimension_semantics<core_parallel>, #tpu.dimension_semantics<subcore_parallel>], iteration_bounds = array<i64: 2, 16>, scalar_prefetch = 0 : i64, scratch_operands = 13 : i64, tpu.core_type = #tpu.core_type<sc_vector_subcore>, window_params = [{transform_indices = #map}, {transform_indices = #map}, {transform_indices = #map1}, {transform_indices = #map1}, {transform_indices = #map1}, {transform_indices = #map1}, {transform_indices = #map}, {transform_indices = #map}, {transform_indices = #map1}, {transform_indices = #map}, {transform_indices = #map1}]} {
    %mul3A = arith.constant 2 : i32
    %mul3A_0 = arith.muli %arg1, %mul3A : i32
    %add3A = arith.addi %mul3A_0, %arg0 : i32
    %mul3A_1 = arith.constant 512 : i32
    %mul3A_2 = arith.muli %add3A, %mul3A_1 : i32
    "tpu.region"() ({
      %run_scoped3A = tpu.sem_alloc : memref<!tpu.dma_semaphore, #tpu.memory_space<semaphore_mem>>
      %dma_start3A_19 = tpu.memref_slice %arg5[%mul3A_2] : memref<16384xi32, #tpu.memory_space<hbm>> -> memref<512xi32, #tpu.memory_space<hbm>>
      %dma_start3A_20 = tpu.memref_slice %arg5[%mul3A_2] : memref<16384xi32, #tpu.memory_space<hbm>> -> memref<512xi32, #tpu.memory_space<hbm>>
      tpu.enqueue_dma source(%dma_start3A_20 : memref<512xi32, #tpu.memory_space<hbm>>) target(%arg13 : memref<512xi32, #tpu.memory_space<vmem>>) target_semaphore(%run_scoped3A : memref<!tpu.dma_semaphore, #tpu.memory_space<semaphore_mem>>)
      %dma_wait3A_21 = tpu.memref_slice %arg5[%mul3A_2] : memref<16384xi32, #tpu.memory_space<hbm>> -> memref<512xi32, #tpu.memory_space<hbm>>
      %dma_wait3A_22 = tpu.memref_slice %arg5[%mul3A_2] : memref<16384xi32, #tpu.memory_space<hbm>> -> memref<512xi32, #tpu.memory_space<hbm>>
      tpu.wait_dma2 semaphore(%run_scoped3A : memref<!tpu.dma_semaphore, #tpu.memory_space<semaphore_mem>>) src(%dma_wait3A_22 : memref<512xi32, #tpu.memory_space<hbm>>) dst(%arg13 : memref<512xi32, #tpu.memory_space<vmem>>)
      tpu.yield
    }) : () -> ()
    "tpu.region"() ({
      %run_scoped3A = tpu.sem_alloc : memref<!tpu.dma_semaphore, #tpu.memory_space<semaphore_mem>>
      %dma_start3A_19 = tpu.memref_slice %arg6[%mul3A_2] : memref<16384xi32, #tpu.memory_space<hbm>> -> memref<512xi32, #tpu.memory_space<hbm>>
      %dma_start3A_20 = tpu.memref_slice %arg6[%mul3A_2] : memref<16384xi32, #tpu.memory_space<hbm>> -> memref<512xi32, #tpu.memory_space<hbm>>
      tpu.enqueue_dma source(%dma_start3A_20 : memref<512xi32, #tpu.memory_space<hbm>>) target(%arg14 : memref<512xi32, #tpu.memory_space<vmem>>) target_semaphore(%run_scoped3A : memref<!tpu.dma_semaphore, #tpu.memory_space<semaphore_mem>>)
      %dma_wait3A_21 = tpu.memref_slice %arg6[%mul3A_2] : memref<16384xi32, #tpu.memory_space<hbm>> -> memref<512xi32, #tpu.memory_space<hbm>>
      %dma_wait3A_22 = tpu.memref_slice %arg6[%mul3A_2] : memref<16384xi32, #tpu.memory_space<hbm>> -> memref<512xi32, #tpu.memory_space<hbm>>
      tpu.wait_dma2 semaphore(%run_scoped3A : memref<!tpu.dma_semaphore, #tpu.memory_space<semaphore_mem>>) src(%dma_wait3A_22 : memref<512xi32, #tpu.memory_space<hbm>>) dst(%arg14 : memref<512xi32, #tpu.memory_space<vmem>>)
      tpu.yield
    }) : () -> ()
    %dma_start3A = arith.constant 0 : i32
    %dma_start3A_3 = arith.constant 0 : i32
    %dma_start3A_4 = tpu.memref_slice %arg2[%dma_start3A, %dma_start3A_3] : memref<1000000x32xf32, #tpu.memory_space<hbm>> -> memref<1000000x32xf32, #tpu.memory_space<hbm>>
    tpu.enqueue_indirect_dma source(%dma_start3A_4 : memref<1000000x32xf32, #tpu.memory_space<hbm>>) target(%arg15 : memref<512x32xf32, #tpu.memory_space<vmem>>) offsets(%arg13 : memref<512xi32, #tpu.memory_space<vmem>>) semaphore(%arg21 : memref<!tpu.dma_semaphore, #tpu.memory_space<semaphore_mem>>)
    %dma_start3A_5 = arith.constant 0 : i32
    %dma_start3A_6 = arith.constant 0 : i32
    %dma_start3A_7 = tpu.memref_slice %arg3[%dma_start3A_5, %dma_start3A_6] : memref<1000000x32xf32, #tpu.memory_space<hbm>> -> memref<1000000x32xf32, #tpu.memory_space<hbm>>
    tpu.enqueue_indirect_dma source(%dma_start3A_7 : memref<1000000x32xf32, #tpu.memory_space<hbm>>) target(%arg16 : memref<512x32xf32, #tpu.memory_space<vmem>>) offsets(%arg14 : memref<512xi32, #tpu.memory_space<vmem>>) semaphore(%arg22 : memref<!tpu.dma_semaphore, #tpu.memory_space<semaphore_mem>>)
    %dma_start3A_8 = arith.constant 0 : i32
    %dma_start3A_9 = tpu.memref_slice %arg4[%dma_start3A_8] : memref<1000000xf32, #tpu.memory_space<hbm>> -> memref<1000000xf32, #tpu.memory_space<hbm>>
    tpu.enqueue_indirect_dma source(%dma_start3A_9 : memref<1000000xf32, #tpu.memory_space<hbm>>) target(%arg17 : memref<512xf32, #tpu.memory_space<vmem>>) offsets(%arg14 : memref<512xi32, #tpu.memory_space<vmem>>) semaphore(%arg23 : memref<!tpu.dma_semaphore, #tpu.memory_space<semaphore_mem>>)
    %dma_wait3A = arith.constant 0 : i32
    %dma_wait3A_10 = arith.constant 0 : i32
    %dma_wait3A_11 = tpu.memref_slice %arg2[%dma_wait3A, %dma_wait3A_10] : memref<1000000x32xf32, #tpu.memory_space<hbm>> -> memref<1000000x32xf32, #tpu.memory_space<hbm>>
    tpu.wait_indirect_dma semaphore(%arg21 : memref<!tpu.dma_semaphore, #tpu.memory_space<semaphore_mem>>) src(%dma_wait3A_11 : memref<1000000x32xf32, #tpu.memory_space<hbm>>) dst(%arg15 : memref<512x32xf32, #tpu.memory_space<vmem>>)
    "tpu.region"() ({
      %run_scoped3A = tpu.sem_alloc : memref<!tpu.dma_semaphore, #tpu.memory_space<semaphore_mem>>
      %dma_start3A_19 = arith.constant 0 : i32
      %dma_start3A_20 = tpu.memref_slice %arg8[%mul3A_2, %dma_start3A_19] : memref<16384x32xf32, #tpu.memory_space<hbm>> -> memref<512x32xf32, #tpu.memory_space<hbm>>
      %dma_start3A_21 = arith.constant 0 : i32
      %dma_start3A_22 = tpu.memref_slice %arg8[%mul3A_2, %dma_start3A_21] : memref<16384x32xf32, #tpu.memory_space<hbm>> -> memref<512x32xf32, #tpu.memory_space<hbm>>
      tpu.enqueue_dma source(%arg15 : memref<512x32xf32, #tpu.memory_space<vmem>>) target(%dma_start3A_22 : memref<512x32xf32, #tpu.memory_space<hbm>>) target_semaphore(%run_scoped3A : memref<!tpu.dma_semaphore, #tpu.memory_space<semaphore_mem>>)
      %dma_wait3A_23 = arith.constant 0 : i32
      %dma_wait3A_24 = tpu.memref_slice %arg8[%mul3A_2, %dma_wait3A_23] : memref<16384x32xf32, #tpu.memory_space<hbm>> -> memref<512x32xf32, #tpu.memory_space<hbm>>
      %dma_wait3A_25 = arith.constant 0 : i32
      %dma_wait3A_26 = tpu.memref_slice %arg8[%mul3A_2, %dma_wait3A_25] : memref<16384x32xf32, #tpu.memory_space<hbm>> -> memref<512x32xf32, #tpu.memory_space<hbm>>
      tpu.wait_dma2 semaphore(%run_scoped3A : memref<!tpu.dma_semaphore, #tpu.memory_space<semaphore_mem>>) src(%arg15 : memref<512x32xf32, #tpu.memory_space<vmem>>) dst(%dma_wait3A_26 : memref<512x32xf32, #tpu.memory_space<hbm>>)
      tpu.yield
    }) : () -> ()
    %dma_wait3A_12 = arith.constant 0 : i32
    %dma_wait3A_13 = arith.constant 0 : i32
    %dma_wait3A_14 = tpu.memref_slice %arg3[%dma_wait3A_12, %dma_wait3A_13] : memref<1000000x32xf32, #tpu.memory_space<hbm>> -> memref<1000000x32xf32, #tpu.memory_space<hbm>>
    tpu.wait_indirect_dma semaphore(%arg22 : memref<!tpu.dma_semaphore, #tpu.memory_space<semaphore_mem>>) src(%dma_wait3A_14 : memref<1000000x32xf32, #tpu.memory_space<hbm>>) dst(%arg16 : memref<512x32xf32, #tpu.memory_space<vmem>>)
    "tpu.region"() ({
      %run_scoped3A = tpu.sem_alloc : memref<!tpu.dma_semaphore, #tpu.memory_space<semaphore_mem>>
      %dma_start3A_19 = arith.constant 0 : i32
      %dma_start3A_20 = tpu.memref_slice %arg9[%mul3A_2, %dma_start3A_19] : memref<16384x32xf32, #tpu.memory_space<hbm>> -> memref<512x32xf32, #tpu.memory_space<hbm>>
      %dma_start3A_21 = arith.constant 0 : i32
      %dma_start3A_22 = tpu.memref_slice %arg9[%mul3A_2, %dma_start3A_21] : memref<16384x32xf32, #tpu.memory_space<hbm>> -> memref<512x32xf32, #tpu.memory_space<hbm>>
      tpu.enqueue_dma source(%arg16 : memref<512x32xf32, #tpu.memory_space<vmem>>) target(%dma_start3A_22 : memref<512x32xf32, #tpu.memory_space<hbm>>) target_semaphore(%run_scoped3A : memref<!tpu.dma_semaphore, #tpu.memory_space<semaphore_mem>>)
      %dma_wait3A_23 = arith.constant 0 : i32
      %dma_wait3A_24 = tpu.memref_slice %arg9[%mul3A_2, %dma_wait3A_23] : memref<16384x32xf32, #tpu.memory_space<hbm>> -> memref<512x32xf32, #tpu.memory_space<hbm>>
      %dma_wait3A_25 = arith.constant 0 : i32
      %dma_wait3A_26 = tpu.memref_slice %arg9[%mul3A_2, %dma_wait3A_25] : memref<16384x32xf32, #tpu.memory_space<hbm>> -> memref<512x32xf32, #tpu.memory_space<hbm>>
      tpu.wait_dma2 semaphore(%run_scoped3A : memref<!tpu.dma_semaphore, #tpu.memory_space<semaphore_mem>>) src(%arg16 : memref<512x32xf32, #tpu.memory_space<vmem>>) dst(%dma_wait3A_26 : memref<512x32xf32, #tpu.memory_space<hbm>>)
      tpu.yield
    }) : () -> ()
    %dma_wait3A_15 = arith.constant 0 : i32
    %dma_wait3A_16 = tpu.memref_slice %arg4[%dma_wait3A_15] : memref<1000000xf32, #tpu.memory_space<hbm>> -> memref<1000000xf32, #tpu.memory_space<hbm>>
    tpu.wait_indirect_dma semaphore(%arg23 : memref<!tpu.dma_semaphore, #tpu.memory_space<semaphore_mem>>) src(%dma_wait3A_16 : memref<1000000xf32, #tpu.memory_space<hbm>>) dst(%arg17 : memref<512xf32, #tpu.memory_space<vmem>>)
    "tpu.region"() ({
      %run_scoped3A = tpu.sem_alloc : memref<!tpu.dma_semaphore, #tpu.memory_space<semaphore_mem>>
      %dma_start3A_19 = tpu.memref_slice %arg10[%mul3A_2] : memref<16384xf32, #tpu.memory_space<hbm>> -> memref<512xf32, #tpu.memory_space<hbm>>
      %dma_start3A_20 = tpu.memref_slice %arg10[%mul3A_2] : memref<16384xf32, #tpu.memory_space<hbm>> -> memref<512xf32, #tpu.memory_space<hbm>>
      tpu.enqueue_dma source(%arg17 : memref<512xf32, #tpu.memory_space<vmem>>) target(%dma_start3A_20 : memref<512xf32, #tpu.memory_space<hbm>>) target_semaphore(%run_scoped3A : memref<!tpu.dma_semaphore, #tpu.memory_space<semaphore_mem>>)
      %dma_wait3A_21 = tpu.memref_slice %arg10[%mul3A_2] : memref<16384xf32, #tpu.memory_space<hbm>> -> memref<512xf32, #tpu.memory_space<hbm>>
      %dma_wait3A_22 = tpu.memref_slice %arg10[%mul3A_2] : memref<16384xf32, #tpu.memory_space<hbm>> -> memref<512xf32, #tpu.memory_space<hbm>>
      tpu.wait_dma2 semaphore(%run_scoped3A : memref<!tpu.dma_semaphore, #tpu.memory_space<semaphore_mem>>) src(%arg17 : memref<512xf32, #tpu.memory_space<vmem>>) dst(%dma_wait3A_22 : memref<512xf32, #tpu.memory_space<hbm>>)
      tpu.yield
    }) : () -> ()
    %eq3A = arith.constant 0 : i32
    %eq3A_17 = arith.cmpi eq, %add3A, %eq3A : i32
    %convert_element_type3A = arith.extui %eq3A_17 : i1 to i32
    %cond3A = arith.constant 0 : i32
    %cond3A_18 = arith.cmpi ne, %convert_element_type3A, %cond3A : i32
    scf.if %cond3A_18 {
      "tpu.region"() ({
        %run_scoped3A = tpu.sem_alloc : memref<!tpu.dma_semaphore, #tpu.memory_space<semaphore_mem>>
        tpu.enqueue_dma source(%arg7 : memref<64xi32, #tpu.memory_space<hbm>>) target(%arg18 : memref<64xi32, #tpu.memory_space<vmem>>) target_semaphore(%run_scoped3A : memref<!tpu.dma_semaphore, #tpu.memory_space<semaphore_mem>>)
        tpu.wait_dma2 semaphore(%run_scoped3A : memref<!tpu.dma_semaphore, #tpu.memory_space<semaphore_mem>>) src(%arg7 : memref<64xi32, #tpu.memory_space<hbm>>) dst(%arg18 : memref<64xi32, #tpu.memory_space<vmem>>)
        tpu.yield
      }) : () -> ()
      %dma_start3A_19 = arith.constant 0 : i32
      %dma_start3A_20 = arith.constant 0 : i32
      %dma_start3A_21 = tpu.memref_slice %arg3[%dma_start3A_19, %dma_start3A_20] : memref<1000000x32xf32, #tpu.memory_space<hbm>> -> memref<1000000x32xf32, #tpu.memory_space<hbm>>
      tpu.enqueue_indirect_dma source(%dma_start3A_21 : memref<1000000x32xf32, #tpu.memory_space<hbm>>) target(%arg19 : memref<64x32xf32, #tpu.memory_space<vmem>>) offsets(%arg18 : memref<64xi32, #tpu.memory_space<vmem>>) semaphore(%arg24 : memref<!tpu.dma_semaphore, #tpu.memory_space<semaphore_mem>>)
      %dma_start3A_22 = arith.constant 0 : i32
      %dma_start3A_23 = tpu.memref_slice %arg4[%dma_start3A_22] : memref<1000000xf32, #tpu.memory_space<hbm>> -> memref<1000000xf32, #tpu.memory_space<hbm>>
      tpu.enqueue_indirect_dma source(%dma_start3A_23 : memref<1000000xf32, #tpu.memory_space<hbm>>) target(%arg20 : memref<64xf32, #tpu.memory_space<vmem>>) offsets(%arg18 : memref<64xi32, #tpu.memory_space<vmem>>) semaphore(%arg25 : memref<!tpu.dma_semaphore, #tpu.memory_space<semaphore_mem>>)
      %dma_wait3A_24 = arith.constant 0 : i32
      %dma_wait3A_25 = arith.constant 0 : i32
      %dma_wait3A_26 = tpu.memref_slice %arg3[%dma_wait3A_24, %dma_wait3A_25] : memref<1000000x32xf32, #tpu.memory_space<hbm>> -> memref<1000000x32xf32, #tpu.memory_space<hbm>>
      tpu.wait_indirect_dma semaphore(%arg24 : memref<!tpu.dma_semaphore, #tpu.memory_space<semaphore_mem>>) src(%dma_wait3A_26 : memref<1000000x32xf32, #tpu.memory_space<hbm>>) dst(%arg19 : memref<64x32xf32, #tpu.memory_space<vmem>>)
      "tpu.region"() ({
        %run_scoped3A = tpu.sem_alloc : memref<!tpu.dma_semaphore, #tpu.memory_space<semaphore_mem>>
        tpu.enqueue_dma source(%arg19 : memref<64x32xf32, #tpu.memory_space<vmem>>) target(%arg11 : memref<64x32xf32, #tpu.memory_space<hbm>>) target_semaphore(%run_scoped3A : memref<!tpu.dma_semaphore, #tpu.memory_space<semaphore_mem>>)
        tpu.wait_dma2 semaphore(%run_scoped3A : memref<!tpu.dma_semaphore, #tpu.memory_space<semaphore_mem>>) src(%arg19 : memref<64x32xf32, #tpu.memory_space<vmem>>) dst(%arg11 : memref<64x32xf32, #tpu.memory_space<hbm>>)
        tpu.yield
      }) : () -> ()
      %dma_wait3A_27 = arith.constant 0 : i32
      %dma_wait3A_28 = tpu.memref_slice %arg4[%dma_wait3A_27] : memref<1000000xf32, #tpu.memory_space<hbm>> -> memref<1000000xf32, #tpu.memory_space<hbm>>
      tpu.wait_indirect_dma semaphore(%arg25 : memref<!tpu.dma_semaphore, #tpu.memory_space<semaphore_mem>>) src(%dma_wait3A_28 : memref<1000000xf32, #tpu.memory_space<hbm>>) dst(%arg20 : memref<64xf32, #tpu.memory_space<vmem>>)
      "tpu.region"() ({
        %run_scoped3A = tpu.sem_alloc : memref<!tpu.dma_semaphore, #tpu.memory_space<semaphore_mem>>
        tpu.enqueue_dma source(%arg20 : memref<64xf32, #tpu.memory_space<vmem>>) target(%arg12 : memref<64xf32, #tpu.memory_space<hbm>>) target_semaphore(%run_scoped3A : memref<!tpu.dma_semaphore, #tpu.memory_space<semaphore_mem>>)
        tpu.wait_dma2 semaphore(%run_scoped3A : memref<!tpu.dma_semaphore, #tpu.memory_space<semaphore_mem>>) src(%arg20 : memref<64xf32, #tpu.memory_space<vmem>>) dst(%arg12 : memref<64xf32, #tpu.memory_space<hbm>>)
        tpu.yield
      }) : () -> ()
    } else {
    }
    return
  }
}

module attributes {stable_mosaic.version = 14 : i64} {
  func.func @_tc_loss_body(%arg0: i32, %arg1: memref<512x32xf32, #tpu.memory_space<vmem>>, %arg2: memref<512x32xf32, #tpu.memory_space<vmem>>, %arg3: memref<512x1xf32, #tpu.memory_space<vmem>>, %arg4: memref<512x1xi32, #tpu.memory_space<vmem>>, %arg5: memref<64x32xf32, #tpu.memory_space<vmem>>, %arg6: memref<1x64xf32, #tpu.memory_space<vmem>>, %arg7: memref<1x64xi32, #tpu.memory_space<vmem>>, %arg8: memref<1x1xf32, #tpu.memory_space<vmem>>) attributes {dimension_semantics = [#tpu.dimension_semantics<arbitrary>], iteration_bounds = array<i64: 32>, scalar_prefetch = 0 : i64, scratch_operands = 0 : i64, tpu.core_type = #tpu.core_type<tc>, window_params = [{transform_indices = @transform_0, window_bounds = array<i64: 512, 32>}, {transform_indices = @transform_1, window_bounds = array<i64: 512, 32>}, {transform_indices = @transform_2, window_bounds = array<i64: 512, 1>}, {transform_indices = @transform_3, window_bounds = array<i64: 512, 1>}, {pipeline_mode = #tpu.pipeline_mode<synchronous>, transform_indices = @transform_4, window_bounds = array<i64: 64, 32>}, {pipeline_mode = #tpu.pipeline_mode<synchronous>, transform_indices = @transform_5, window_bounds = array<i64: 1, 64>}, {pipeline_mode = #tpu.pipeline_mode<synchronous>, transform_indices = @transform_6, window_bounds = array<i64: 1, 64>}, {pipeline_mode = #tpu.pipeline_mode<synchronous>, transform_indices = @transform_7, window_bounds = array<i64: 1, 1>}]} {
    %eq3A = arith.constant 0 : i32
    %eq3A_0 = arith.cmpi eq, %arg0, %eq3A : i32
    %convert_element_type3A = arith.extui %eq3A_0 : i1 to i32
    %cond3A = arith.constant 0 : i32
    %cond3A_1 = arith.cmpi ne, %convert_element_type3A, %cond3A : i32
    scf.if %cond3A_1 {
      %broadcast_in_dim3A_99 = arith.constant 0.000000e+00 : f32
      %broadcast_in_dim3A_100 = vector.broadcast %broadcast_in_dim3A_99 : f32 to vector<1x1xf32>
      %swap3A_101 = arith.constant 0 : index
      %swap3A_102 = arith.constant 0 : index
      %swap3A_103 = vector.load %arg8[%swap3A_101, %swap3A_102] : memref<1x1xf32, #tpu.memory_space<vmem>>, vector<1x1xf32>
      tpu.vector_store %arg8[%swap3A_101, %swap3A_102], %broadcast_in_dim3A_100 {strides = array<i32>} : memref<1x1xf32, #tpu.memory_space<vmem>>, vector<1x1xf32>,
    } else {
    }
    %get3A = arith.constant 0 : index
    %get3A_2 = arith.constant 0 : index
    %get3A_3 = vector.load %arg1[%get3A, %get3A_2] : memref<512x32xf32, #tpu.memory_space<vmem>>, vector<512x32xf32>
    %get3A_4 = arith.constant 0 : index
    %get3A_5 = arith.constant 0 : index
    %get3A_6 = vector.load %arg2[%get3A_4, %get3A_5] : memref<512x32xf32, #tpu.memory_space<vmem>>, vector<512x32xf32>
    %get3A_7 = arith.constant 0 : index
    %get3A_8 = arith.constant 0 : index
    %get3A_9 = vector.load %arg3[%get3A_7, %get3A_8] : memref<512x1xf32, #tpu.memory_space<vmem>>, vector<512x1xf32>
    %get3A_10 = arith.constant 0 : index
    %get3A_11 = arith.constant 0 : index
    %get3A_12 = vector.load %arg4[%get3A_10, %get3A_11] : memref<512x1xi32, #tpu.memory_space<vmem>>, vector<512x1xi32>
    %convert_element_type3A_13 = arith.sitofp %get3A_12 : vector<512x1xi32> to vector<512x1xf32>
    %mul3A = arith.mulf %get3A_3, %get3A_6 : vector<512x32xf32>
    %reduce_sum3A = arith.constant dense<0.000000e+00> : vector<512xf32>
    %reduce_sum3A_14 = vector.multi_reduction <add>, %mul3A, %reduce_sum3A [1] : vector<512x32xf32> to vector<512xf32>
    %broadcast_in_dim3A = vector.shape_cast %reduce_sum3A_14 : vector<512xf32> to vector<512x1xf32>
    %add3A = arith.addf %broadcast_in_dim3A, %get3A_9 : vector<512x1xf32>
    %add3A_15 = arith.constant 2.000000e+00 : f32
    %add3A_16 = vector.broadcast %add3A_15 : f32 to vector<512x1xf32>
    %add3A_17 = arith.addf %convert_element_type3A_13, %add3A_16 : vector<512x1xf32>
    %log3A = math.log %add3A_17 : vector<512x1xf32>
    %add3A_18 = arith.constant 1.000000e+00 : f32
    %add3A_19 = vector.broadcast %add3A_18 : f32 to vector<512x1xf32>
    %add3A_20 = arith.addf %convert_element_type3A_13, %add3A_19 : vector<512x1xf32>
    %log3A_21 = math.log %add3A_20 : vector<512x1xf32>
    %sub3A = arith.subf %log3A, %log3A_21 : vector<512x1xf32>
    %log3A_22 = arith.constant 0x49742410 : f32
    %log3A_23 = math.log %log3A_22 : f32
    %div3A = vector.broadcast %log3A_23 : f32 to vector<512x1xf32>
    %div3A_24 = arith.divf %sub3A, %div3A : vector<512x1xf32>
    %mul3A_25 = arith.constant 6.400000e+01 : f32
    %mul3A_26 = vector.broadcast %mul3A_25 : f32 to vector<512x1xf32>
    %mul3A_27 = arith.mulf %div3A_24, %mul3A_26 : vector<512x1xf32>
    %log3A_28 = math.log %mul3A_27 : vector<512x1xf32>
    %sub3A_29 = arith.subf %add3A, %log3A_28 : vector<512x1xf32>
    %get3A_30 = arith.constant 0 : index
    %get3A_31 = arith.constant 0 : index
    %get3A_32 = vector.load %arg7[%get3A_30, %get3A_31] : memref<1x64xi32, #tpu.memory_space<vmem>>, vector<1x64xi32>
    %convert_element_type3A_33 = arith.sitofp %get3A_32 : vector<1x64xi32> to vector<1x64xf32>
    %add3A_34 = arith.constant 2.000000e+00 : f32
    %add3A_35 = vector.broadcast %add3A_34 : f32 to vector<1x64xf32>
    %add3A_36 = arith.addf %convert_element_type3A_33, %add3A_35 : vector<1x64xf32>
    %log3A_37 = math.log %add3A_36 : vector<1x64xf32>
    %add3A_38 = arith.constant 1.000000e+00 : f32
    %add3A_39 = vector.broadcast %add3A_38 : f32 to vector<1x64xf32>
    %add3A_40 = arith.addf %convert_element_type3A_33, %add3A_39 : vector<1x64xf32>
    %log3A_41 = math.log %add3A_40 : vector<1x64xf32>
    %sub3A_42 = arith.subf %log3A_37, %log3A_41 : vector<1x64xf32>
    %log3A_43 = arith.constant 0x49742410 : f32
    %log3A_44 = math.log %log3A_43 : f32
    %div3A_45 = vector.broadcast %log3A_44 : f32 to vector<1x64xf32>
    %div3A_46 = arith.divf %sub3A_42, %div3A_45 : vector<1x64xf32>
    %mul3A_47 = arith.constant 6.400000e+01 : f32
    %mul3A_48 = vector.broadcast %mul3A_47 : f32 to vector<1x64xf32>
    %mul3A_49 = arith.mulf %div3A_46, %mul3A_48 : vector<1x64xf32>
    %log3A_50 = math.log %mul3A_49 : vector<1x64xf32>
    %get3A_51 = arith.constant 0 : index
    %get3A_52 = arith.constant 0 : index
    %get3A_53 = vector.load %arg5[%get3A_51, %get3A_52] : memref<64x32xf32, #tpu.memory_space<vmem>>, vector<64x32xf32>
    %dot_general3A = arith.constant dense<0.000000e+00> : vector<512x64xf32>
    %dot_general3A_54 = tpu.matmul %get3A_3, %get3A_53, %dot_general3A {dimension_numbers = #tpu.dot_dimension_numbers<[1], [1], [0], [0], [0, 0, 1, 0], [], []>, precision = #tpu.contract_precision<fp32>, transpose_lhs_hint = false} : vector<512x32xf32>, vector<64x32xf32>, vector<512x64xf32> -> vector<512x64xf32>
    %get3A_55 = arith.constant 0 : index
    %get3A_56 = arith.constant 0 : index
    %get3A_57 = vector.load %arg6[%get3A_55, %get3A_56] : memref<1x64xf32, #tpu.memory_space<vmem>>, vector<1x64xf32>
    %add3A_58 = vector.broadcast %get3A_57 : vector<1x64xf32> to vector<512x64xf32>
    %add3A_59 = arith.addf %dot_general3A_54, %add3A_58 : vector<512x64xf32>
    %sub3A_60 = vector.broadcast %log3A_50 : vector<1x64xf32> to vector<512x64xf32>
    %sub3A_61 = arith.subf %add3A_59, %sub3A_60 : vector<512x64xf32>
    %max3A = arith.constant 0.000000e+00 : f32
    %max3A_62 = vector.broadcast %max3A : f32 to vector<512x1xf32>
    %max3A_63 = arith.maximumf %sub3A_29, %max3A_62 : vector<512x1xf32>
    %sub3A_64 = arith.subf %max3A_63, %sub3A_29 : vector<512x1xf32>
    %abs3A = math.absf %sub3A_29 : vector<512x1xf32>
    %neg3A = arith.constant 0.000000e+00 : f32
    %neg3A_65 = vector.broadcast %neg3A : f32 to vector<512x1xf32>
    %neg3A_66 = arith.subf %neg3A_65, %abs3A : vector<512x1xf32>
    %exp3A = math.exp %neg3A_66 : vector<512x1xf32>
    %log1p3A = math.log1p %exp3A : vector<512x1xf32>
    %add3A_67 = arith.addf %sub3A_64, %log1p3A : vector<512x1xf32>
    %reduce_sum3A_68 = vector.shape_cast %add3A_67 : vector<512x1xf32> to vector<1x512x1xf32>
    %reduce_sum3A_69 = arith.constant dense<0.000000e+00> : vector<1xf32>
    %reduce_sum3A_70 = vector.multi_reduction <add>, %reduce_sum3A_68, %reduce_sum3A_69 [1, 2] : vector<1x512x1xf32> to vector<1xf32>
    %reduce_sum3A_71 = vector.shape_cast %reduce_sum3A_70 : vector<1xf32> to vector<1x1x1xf32>
    %reduce_sum3A_72 = vector.extract %reduce_sum3A_71[0, 0, 0] : f32 from vector<1x1x1xf32>
    %max3A_73 = arith.constant 0.000000e+00 : f32
    %max3A_74 = vector.broadcast %max3A_73 : f32 to vector<512x64xf32>
    %max3A_75 = arith.maximumf %sub3A_61, %max3A_74 : vector<512x64xf32>
    %abs3A_76 = math.absf %sub3A_61 : vector<512x64xf32>
    %neg3A_77 = arith.constant 0.000000e+00 : f32
    %neg3A_78 = vector.broadcast %neg3A_77 : f32 to vector<512x64xf32>
    %neg3A_79 = arith.subf %neg3A_78, %abs3A_76 : vector<512x64xf32>
    %exp3A_80 = math.exp %neg3A_79 : vector<512x64xf32>
    %log1p3A_81 = math.log1p %exp3A_80 : vector<512x64xf32>
    %add3A_82 = arith.addf %max3A_75, %log1p3A_81 : vector<512x64xf32>
    %reduce_sum3A_83 = vector.shape_cast %add3A_82 : vector<512x64xf32> to vector<1x512x64xf32>
    %reduce_sum3A_84 = arith.constant dense<0.000000e+00> : vector<1xf32>
    %reduce_sum3A_85 = vector.multi_reduction <add>, %reduce_sum3A_83, %reduce_sum3A_84 [1, 2] : vector<1x512x64xf32> to vector<1xf32>
    %reduce_sum3A_86 = vector.shape_cast %reduce_sum3A_85 : vector<1xf32> to vector<1x1x1xf32>
    %reduce_sum3A_87 = vector.extract %reduce_sum3A_86[0, 0, 0] : f32 from vector<1x1x1xf32>
    %add3A_88 = arith.addf %reduce_sum3A_72, %reduce_sum3A_87 : f32
    %get3A_89 = arith.constant 0 : index
    %get3A_90 = arith.constant 0 : index
    %get3A_91 = vector.load %arg8[%get3A_89, %get3A_90] : memref<1x1xf32, #tpu.memory_space<vmem>>, vector<1x1xf32>
    %broadcast_in_dim3A_92 = arith.constant 6.10351563E-5 : f32
    %broadcast_in_dim3A_93 = vector.broadcast %broadcast_in_dim3A_92 : f32 to vector<1x1xf32>
    %mul3A_94 = vector.broadcast %add3A_88 : f32 to vector<1x1xf32>
    %mul3A_95 = arith.mulf %broadcast_in_dim3A_93, %mul3A_94 : vector<1x1xf32>
    %add3A_96 = arith.addf %get3A_91, %mul3A_95 : vector<1x1xf32>
    %swap3A = arith.constant 0 : index
    %swap3A_97 = arith.constant 0 : index
    %swap3A_98 = vector.load %arg8[%swap3A, %swap3A_97] : memref<1x1xf32, #tpu.memory_space<vmem>>, vector<1x1xf32>
    tpu.vector_store %arg8[%swap3A, %swap3A_97], %add3A_96 {strides = array<i32>} : memref<1x1xf32, #tpu.memory_space<vmem>>, vector<1x1xf32>,
    return
  }
  func.func @transform_0(%arg0: i32) -> (i32, i32) {
    %c0_i32 = arith.constant 0 : i32
    %c0_i32_0 = arith.constant 0 : i32
    return %arg0, %c0_i32 : i32, i32
  }
  func.func @transform_1(%arg0: i32) -> (i32, i32) {
    %c0_i32 = arith.constant 0 : i32
    %c0_i32_0 = arith.constant 0 : i32
    return %arg0, %c0_i32 : i32, i32
  }
  func.func @transform_2(%arg0: i32) -> (i32, i32) {
    %c0_i32 = arith.constant 0 : i32
    %c0_i32_0 = arith.constant 0 : i32
    return %arg0, %c0_i32 : i32, i32
  }
  func.func @transform_3(%arg0: i32) -> (i32, i32) {
    %c0_i32 = arith.constant 0 : i32
    %c0_i32_0 = arith.constant 0 : i32
    return %arg0, %c0_i32 : i32, i32
  }
  func.func @transform_4(%arg0: i32) -> (i32, i32) {
    %c0_i32 = arith.constant 0 : i32
    %c0_i32_0 = arith.constant 0 : i32
    %c0_i32_1 = arith.constant 0 : i32
    return %c0_i32, %c0_i32_0 : i32, i32
  }
  func.func @transform_5(%arg0: i32) -> (i32, i32) {
    %c0_i32 = arith.constant 0 : i32
    %c0_i32_0 = arith.constant 0 : i32
    %c0_i32_1 = arith.constant 0 : i32
    return %c0_i32, %c0_i32_0 : i32, i32
  }
  func.func @transform_6(%arg0: i32) -> (i32, i32) {
    %c0_i32 = arith.constant 0 : i32
    %c0_i32_0 = arith.constant 0 : i32
    %c0_i32_1 = arith.constant 0 : i32
    return %c0_i32, %c0_i32_0 : i32, i32
  }
  func.func @transform_7(%arg0: i32) -> (i32, i32) {
    %c0_i32 = arith.constant 0 : i32
    %c0_i32_0 = arith.constant 0 : i32
    %c0_i32_1 = arith.constant 0 : i32
    return %c0_i32, %c0_i32_0 : i32, i32
  }
}

</mosaic_0001>

<sc_bundles>
// kernel: kernel.4.cloned.1.call-start
scs
__scs_entry_jumppad:
0x0: {  	(pc) =	sbr.rel $0x88, $3  }
0x1: {  	(tag) =	ssettag $0x0;
	lr =	simm.s32 $0x1  }
0x2: {  	[smem:$0x3F9C] =	sst lr;
	_ =	strace $0xD0000000  }
0x3: {  	_ = 	snop  }
0x4: {  	_ = 	snop  }
0x5: {  	_ = 	snop  }
0x6: {  	_ = 	snop  }
0x7: {  	_ = 	snop  }
__scs_overlays_trampoline_lowered:
0x8: {  	[smem:$0x3FAB] =	sst s0  }
0x9: {  	[smem:$0x3FAC] =	sst s1  }
0xa: {  	[smem:$0x3FAD] =	sst s2  }
0xb: {  	[smem:$0x3FAE] =	sst s3  }
0xc: {  	[smem:$0x3FAF] =	sst s4  }
0xd: {  	[smem:$0x3FB0] =	sst s5  }
0xe: {  	[smem:$0x3FB1] =	sst s6  }
0xf: {  	[smem:$0x3FB2] =	sst s7  }
0x10: {  	[smem:$0x3FB3] =	sst s8  }
0x11: {  	[smem:$0x3FB4] =	sst s9;
	s0 =	simm.s32 @!p0 $0x0  }
0x12: {  	s1 =	sld [smem:$0x3F9A];
	s0 =	simm.s32 @p0 $0x1  }
0x13: {  	[smem:$0x3FB5] =	sst s0;
	s0 =	simm.s32 @!p1 $0x0  }
0x14: {  	s2 =	sld [smem:$0x3F99];
	s0 =	simm.s32 @p1 $0x1  }
0x15: {  	[smem:$0x3FB6] =	sst s0;
	s0 =	simm.s32 @!p2 $0x0  }
0x16: {  	s3 =	sld [smem:$0x3FDB];
	s0 =	simm.s32 @p2 $0x1  }
0x17: {  	s4 =	simm.s32 $0x1BF5;
	[smem:$0x3FB8] =	sst s0  }
0x18: {  	s0 =	sld [smem:$0x3F9B];
	_ =	swait.ge [sflag:s4], $0x0  }
0x19: {  	s7 =	sld [smem:$0x3F9C]  }
0x1a: {  	s8 =	sadd.s32 $0xFFFFE003, lr  }
0x1b: {  	s9 =	sadd.s32 $0xFFFFFEF7, lr;
	s5 =	simm.s32 $0xFFFFFFFF;
	p2 =	slt.u32 s8, $0xFFFFF086  }
0x1c: {  	p1 =	slt.u32 s9, $0xF7A;
	s5 =	simm.s32 @!p2 $0x0  }
0x1d: {  	s5 =	simm.s32 @p1 $0x1;
	p0 =	seq.s32 s7, s2  }
0x1e: {  	s7 =	smul.u32 @!p0 $0xF7A, s2;
	p2 =	seq.s32 @!p0 s5, $0x0  }
0x1f: {  	s9 =	smul.u32 $0xF7A, s1;
	s8 =	simm.s32 @!p0 $0x1BF5;
	p2 =	por !p2, p0  }
0x20: {  	[sflag:s8] =	ssyncset.s32 @!p0 $0xFFFFF086;
	s6 =	sadd.s32 @!p0 s3, s7;
	s7 =	simm.s32 @!p0 $0x108  }
0x21: {  	s3 =	sadd.s32 s3, s9;
	s6 =	sadd.s32 @!p0 $0x88, s6;
	s7 =	simm.s32 @p2 $0x1082  }
0x22: {  	[simem:s7], [sflag:s8] =	dma.local @!p0 [hbm:s6], $0xF7A  }
0x23: {  	s9 =	sor.u32 $0xD0000000, s2;
	s6 =	simm.s32 $0x108;
	_ =	swait.ge @!p0 [sflag:s8], $0x0  }
0x24: {  	s3 =	sadd.s32 $0x88, s3;
	s6 =	simm.s32 @!p1 $0x1082;
	[sflag:s4] =	ssyncset.s32 $0xFFFFF086  }
0x25: {  	[simem:s6], [sflag:s4] =	dma.local [hbm:s3], $0xF7A  }
0x26: {  	[smem:$0x3F9C] =	sst s1;
	(tag) =	ssettag s2;
	_ =	strace s9  }
0x27: {  	s1 =	sld [smem:$0x3FAC]  }
0x28: {  	s2 =	sld [smem:$0x3FAD]  }
0x29: {  	s4 =	sld [smem:$0x3FAF]  }
0x2a: {  	p0 =	seq.s32 s5, $0x0;
	s5 =	sld [smem:$0x3FB0]  }
0x2b: {  	s6 =	sld [smem:$0x3FB1]  }
0x2c: {  	s7 =	sld [smem:$0x3FB2]  }
0x2d: {  	s3 =	simm.s32 $0x108;
	s8 =	sld [smem:$0x3FB3]  }
0x2e: {  	s3 =	simm.s32 @!p0 $0x1082;
	s9 =	sld [smem:$0x3FB4]  }
0x2f: {  	lr =	sadd.s32 s0, s3;
	s0 =	sld [smem:$0x3FAB]  }
0x30: {  	s3 =	sld [smem:$0x3FAE]  }
0x31: {  	[smem:$0x3FB7] =	sst s10  }
0x32: {  	s10 =	sld [smem:$0x3FB5];
	_ =	sdelay $0x3  }
0x33: {  	p0 =	seq.s32 s10, $0x1;
	s10 =	sld [smem:$0x3FB7];
	_ =	sdelay $0x3  }
0x34: {  	[smem:$0x3FB7] =	sst s10  }
0x35: {  	s10 =	sld [smem:$0x3FB6];
	_ =	sdelay $0x3  }
0x36: {  	p1 =	seq.s32 s10, $0x1;
	s10 =	sld [smem:$0x3FB7];
	_ =	sdelay $0x3  }
0x37: {  	[smem:$0x3FB7] =	sst s10  }
0x38: {  	s10 =	sld [smem:$0x3FB8]  }
0x39: {  	_ = 	snop;
	(pc) =	sbr.ind lr, $3  }
0x3a: {  	_ = 	snop  }
0x3b: {  	_ = 	snop  }
0x3c: {  	p2 =	seq.s32 s10, $0x1;
	s10 =	sld [smem:$0x3FB7]  }
0x3d: {  	_ =	shalt  }
0x3e: {  	_ =	shalt  }
0x3f: {  	_ =	shalt  }
0x40: {  	_ =	shalt  }
0x41: {  	_ =	shalt  }
0x42: {  	_ =	shalt  }
0x43: {  	_ =	shalt  }
0x44: {  	_ =	shalt  }
0x45: {  	_ =	shalt  }
0x46: {  	_ =	shalt  }
0x47: {  	_ =	shalt  }
0x48: {  	_ =	shalt  }
0x49: {  	_ =	shalt  }
0x4a: {  	_ =	shalt  }
0x4b: {  	_ =	shalt  }
0x4c: {  	_ =	shalt  }
0x4d: {  	_ =	shalt  }
0x4e: {  	_ =	shalt  }
0x4f: {  	_ =	shalt  }
0x50: {  	_ =	shalt  }
0x51: {  	_ =	shalt  }
0x52: {  	_ =	shalt  }
0x53: {  	_ =	shalt  }
0x54: {  	_ =	shalt  }
0x55: {  	_ =	shalt  }
0x56: {  	_ =	shalt  }
0x57: {  	_ =	shalt  }
0x58: {  	_ =	shalt  }
0x59: {  	_ =	shalt  }
0x5a: {  	_ =	shalt  }
0x5b: {  	_ =	shalt  }
0x5c: {  	_ =	shalt  }
0x5d: {  	_ =	shalt  }
0x5e: {  	_ =	shalt  }
0x5f: {  	_ =	shalt  }
0x60: {  	_ =	shalt  }
0x61: {  	_ =	shalt  }
0x62: {  	_ =	shalt  }
0x63: {  	_ =	shalt  }
0x64: {  	_ =	shalt  }
0x65: {  	_ =	shalt  }
0x66: {  	_ =	shalt  }
0x67: {  	_ =	shalt  }
0x68: {  	_ =	shalt  }
0x69: {  	_ =	shalt  }
0x6a: {  	_ =	shalt  }
0x6b: {  	_ =	shalt  }
0x6c: {  	_ =	shalt  }
0x6d: {  	_ =	shalt  }
0x6e: {  	_ =	shalt  }
0x6f: {  	_ =	shalt  }
0x70: {  	_ =	shalt  }
0x71: {  	_ =	shalt  }
0x72: {  	_ =	shalt  }
0x73: {  	_ =	shalt  }
0x74: {  	_ =	shalt  }
0x75: {  	_ =	shalt  }
0x76: {  	_ =	shalt  }
0x77: {  	_ =	shalt  }
0x78: {  	_ =	shalt  }
0x79: {  	_ =	shalt  }
0x7a: {  	_ =	shalt  }
0x7b: {  	_ =	shalt  }
0x7c: {  	_ =	shalt  }
0x7d: {  	_ =	shalt  }
0x7e: {  	_ =	shalt  }
0x7f: {  	_ =	shalt  }
0x80: {  	_ =	shalt  }
0x81: {  	_ =	shalt  }
0x82: {  	_ =	shalt  }
0x83: {  	_ =	shalt  }
0x84: {  	_ =	shalt  }
0x85: {  	_ =	shalt  }
0x86: {  	_ =	shalt  }
0x87: {  	_ =	shalt  }
.Lfunc_end0:
.L_simem_size_0:
called_computation_lowered:
.L_overlay_start_0:
0x88: {  	s2 =	sld [smem:$0x3FD9]  }
0x89: {  	s3 =	sld [smem:$0x3FFE];
	_ =	sdelay $0x1  }
0x8a: {  	s1 =	srdreg.scid  }
0x8b: {  	s0 =	sand.u32 $0x1, s1  }
0x8c: {  	s14 =	sshll.u32 s0, $0xA;
	s2 =	sadd.s32 s3, s2  }
0x8d: {  	s2 =	sadd.s32 s2, s14  }
0x8e: {  	[smem:$0x3FC3] =	sst s2  }
0x8f: {  	_ = 	snop  }
0x90: {  	s2 =	sld [smem:$0x3FD0]  }
0x91: {  	s15 =	sld [smem:$0x3FC9]  }
0x92: {  	s4 =	sld [smem:$0x3FC8]  }
0x93: {  	s6 =	simm.s32 $0xA;
	s7 =	simm.s32 $0x10;
	s5 =	sld [smem:$0x3FC5]  }
0x94: {  	[smem:s7], [sflag:s6] =	dma.local [hbm:s2], $0x1  }
0x95: {  	_ =	swait.eq [sflag:s6], $0x1  }
0x96: {  	[sflag:s6] =	ssyncset.done $0x0  }
0x97: {  	s16 =	sld [smem:$0x10];
	[sflag:s6] =	ssyncadd.s32 $0xFFFFFFFF  }
0x98: {  	s17 =	sld [smem:$0x11];
	(tm) =	ssettm $0x1  }
0x99: {  	s18 =	sld [smem:$0x3FFB];
	_ =	sdelay $0x3  }
0x9a: {  	_ =	strace s18  }
0x9b: {  	s7 =	sld [smem:$0x3FFC];
	_ =	sdelay $0x3  }
0x9c: {  	_ =	strace s7  }
0x9d: {  	s7 =	sld [smem:$0x3FFD];
	_ =	sdelay $0x3  }
0x9e: {  	_ =	strace s7  }
0x9f: {  	_ =	strace $0x8FFFFFFF  }
0xa0: {  	s19 =	sld [smem:$0x3FDB];
	_ =	sdelay $0x1  }
0xa1: {  	s8 =	simm.s32 $_scs_section_size  }
0xa2: {  	s9 =	simm.s32 $_size__tile_overlayer_lowered;
	s10 =	simm.s32 $_tile_overlayer_lowered  }
0xa3: {  	s22 =	simm.s32 $0x1BFF;
	s21 =	sshll.u32 s10, $0x1;
	s7 =	sadd.s32 s8, s19  }
0xa4: {  	s11 =	simm.s32 $0x0;
	s20 =	sshll.u32 s9, $0x1;
	s9 =	sadd.s32 s21, s7  }
0xa5: {  	[timem:s11], [sflag:s22] =	dma.local [hbm:s9], s20  }
0xa6: {  	_ =	swait.ge [sflag:s22], s20  }
0xa7: {  	s8 =	ssub.s32 $0x0, s20;
	[sflag:s22] =	ssyncset.done $0x0  }
0xa8: {  	[sflag:s22] =	ssyncadd.s32 s8;
	_ =	sdelay $0x1  }
0xa9: {  	s23 =	simm.s32 $0x1B8B  }
0xaa: {  	_ =	swait.ge [sflag:s23], $0x1  }
0xab: {  	[sflag:s23] =	ssyncset.done $0x0  }
0xac: {  	s25 =	simm.s32 $0x1B8E;
	s24 =	sld [smem:$0x3FFE];
	[sflag:s23] =	ssyncadd.s32 $0xFFFFFFFF  }
0xad: {  	s26 =	simm.s32 $execute0_lowered;
	[smem:$0x3FD2] =	sst s25  }
0xae: {  	s9 =	sshll.u32 s26, $0x1;
	_ =	strace $0x80000046;
	[dreg:$0x1] =	wrdreg $0xFFFFFFFF  }
0xaf: {  	s28 =	simm.s32 $_size_execute0_lowered;
	s7 =	sadd.s32 s7, s9;
	[dreg:$0x0] =	wrdreg $0x0  }
0xb0: {  	s9 =	sshll.u32 s28, $0x1;
	[dreg:$0x2] =	wrdreg s7  }
0xb1: {  	[dreg:$0x3] =	wrdreg s9  }
0xb2: {  	[dreg:$0x4] =	wrdreg $0xC0  }
0xb3: {  	_ =	task [dreg:s11], $0x5FFFF  }
0xb4: {  	[dreg:$0x1] =	wrdreg $0xFFFFFFFF  }
0xb5: {  	[dreg:$0x0] =	wrdreg $0x60  }
0xb6: {  	[dreg:$0x2] =	wrdreg s24  }
0xb7: {  	[dreg:$0x3] =	wrdreg s5  }
0xb8: {  	[dreg:$0x4] =	wrdreg s15  }
0xb9: {  	[dreg:$0x5] =	wrdreg s4  }
0xba: {  	[dreg:$0x6] =	wrdreg s17  }
0xbb: {  	[dreg:$0x7] =	wrdreg s16  }
0xbc: {  	[dreg:$0x8] =	wrdreg $0x9  }
0xbd: {  	_ =	task.clear_ibuf [dreg:s11], $0x9FFFF;
	_ =	strace $0x90000046  }
0xbe: {  	s29 =	simm.s32 $0x9;
	_ =	strace $0x80000048  }
0xbf: {  	_ =	swait.ge [sflag:s29], $0x1  }
0xc0: {  	[sflag:s29] =	ssyncadd.s32 $0xFFFFFFFF  }
0xc1: {  	_ =	strace $0x90000048  }
0xc2: {  	_ =	sfence  }
0xc3: {  	s30 =	sld [smem:$0x0];
	_ =	sdelay $0x2  }
0xc4: {  	s31 =	sshll.u32 s1, $0xD;
	s1 =	sshrl.u32 s1, $0x2  }
0xc5: {  	s3 =	sand.u32 $0x4000, s31;
	s1 =	sadd.s32 s1, s30  }
0xc6: {  	s0 =	sor.u32 s3, s0;
	s1 =	sshll.u32 s1, $0x11  }
0xc7: {  	s0 =	sor.u32 s1, s0  }
0xc8: {  	s0 =	sadd.s32 $0x8F2B, s0  }
0xc9: {  	[sflag:s0] =	ssyncadd.remote.s32 $0x1  }
0xca: {  	_ =	sfence.sel $0xFFFF  }
0xcb: {  	[dreg:$0x0] =	wrdreg $0xFFFFFFFF;
	(pc) =	sbr.abs _section_cstart, $3  }
0xcc: {  	[dreg:$0x1] =	wrdreg $0xFFFFFFFF  }
0xcd: {  	_ =	task.clear_ibuf [dreg:s11], $0x2FFFF;
	_ =	strace $0x9FFFFFFF  }
0xce: {  	(tm) =	ssettm $0x7FFFFFFF  }
0xcf: {  	_ =	shalt  }
tec
execute0_lowered:
.L_overlay_start_1:
0x0: {  	(tag) =	ssettag $0x1  }
0x1: {  	s30 =	rddreg [dreg:$0x0]  }
0x2: {  	s2 =	rddreg [dreg:$0x1]  }
0x3: {  	s5 =	rddreg [dreg:$0x2]  }
0x4: {  	s7 =	rddreg [dreg:$0x3]  }
0x5: {  	s1 =	srdreg.scid;
	s0 =	stileid.u32  }
0x6: {  	s3 =	rddreg [dreg:$0x4];
	s29 =	sand.u32 $0x1, s1;
	s6 =	sshll.u32 s0, $0x1  }
0x7: {  	s15 =	rddreg [dreg:$0x5];
	s4 =	simm.s32 $0x0;
	s20 =	sor.u32 s29, s6  }
0x8: {  	[smem:$0x7FF] =	sst s4;
	s19 =	sshll.u32 s20, $0x6  }
0x9: {  	_ =	strace $0x80000047;
	s6 =	simm.s32 $0x6;
	s5 =	sadd.s32 s5, s19  }
0xa: {  	[tilespmem:s4], [sflag:$0x6] =	stream.linear.gather [hbm4b:s5+s4], $0x200, $0x38;
	[tilespmem:$0x8E80] =	vst v63  }
0xb: {  	_ =	swait.ge [sflag:s6], $0x200  }
0xc: {  	[sflag:s6] =	ssyncset.done $0x0  }
0xd: {  	s8 =	simm.s32 $0x200;
	s7 =	sadd.s32 s7, s19;
	[sflag:s6] =	ssyncadd.s32 $0xFFFFFE00  }
0xe: {  	[tilespmem:s8], [sflag:$0x6] =	stream.linear.gather [hbm4b:s7+s4], $0x200, $0x38;
	[tilespmem:$0x8E80] =	vst v63  }
0xf: {  	_ =	swait.ge [sflag:s6], $0x200  }
0x10: {  	[sflag:s6] =	ssyncset.done $0x0  }
0x11: {  	s10 =	simm.s32 $0x400;
	s9 =	sadd.s32 $0xF43600, s30;
	[sflag:s6] =	ssyncadd.s32 $0xFFFFFE00  }
0x12: {  	[tilespmem:s10], [sflag:$0x1] =	stream.indirect.gather [hbm4b:s9+s8], $0x20, s4, s8, $0xb8;
	[tilespmem:$0x8E80] =	vst v63  }
0x13: {  	s12 =	simm.s32 $0x4400;
	s11 =	sadd.s32 $0x1314000, s30  }
0x14: {  	[tilespmem:s12], [sflag:$0x2] =	stream.indirect.gather [hbm4b:s11+s8], $0x20, s8, s8, $0xb8;
	[tilespmem:$0x8E80] =	vst v63  }
0x15: {  	s13 =	simm.s32 $0x8400;
	s14 =	simm.s32 $0x1  }
0x16: {  	[tilespmem:s13], [sflag:$0x3] =	stream.indirect.gather [hbm4b:s2+s8], $0x1, s8, s8, $0xb8;
	[tilespmem:$0x8E80] =	vst v63  }
0x17: {  	_ =	swait.ge [sflag:s14], $0x4000  }
0x18: {  	s17 =	sshll.u32 s20, $0xB;
	[sflag:s14] =	ssyncset.done $0x0  }
0x19: {  	s15 =	sadd.s32 s15, s17;
	[sflag:s14] =	ssyncadd.s32 $0xFFFFC000  }
0x1a: {  	[hbm4b:s15+s4] =	stream.linear.scatter [tilespmem:s10], [sflag:$0x6], $0x4000, $0x38;
	[tilespmem:$0x8E80] =	vst v63  }
0x1b: {  	_ =	swait.ge [sflag:s6], $0x4000  }
0x1c: {  	[sflag:s6] =	ssyncset.done $0x0  }
0x1d: {  	s16 =	simm.s32 $0x2;
	[sflag:s6] =	ssyncadd.s32 $0xFFFFC000  }
0x1e: {  	_ =	swait.ge [sflag:s16], $0x4000  }
0x1f: {  	s17 =	sadd.s32 s17, s30;
	[sflag:s16] =	ssyncset.done $0x0  }
0x20: {  	s17 =	sadd.s32 $0x1A00, s17;
	[sflag:s16] =	ssyncadd.s32 $0xFFFFC000  }
0x21: {  	[hbm4b:s17+s4] =	stream.linear.scatter [tilespmem:s12], [sflag:$0x6], $0x4000, $0x38;
	[tilespmem:$0x8E80] =	vst v63  }
0x22: {  	_ =	swait.ge [sflag:s6], $0x4000  }
0x23: {  	[sflag:s6] =	ssyncset.done $0x0  }
0x24: {  	s18 =	simm.s32 $0x3;
	[sflag:s6] =	ssyncadd.s32 $0xFFFFC000  }
0x25: {  	_ =	swait.ge [sflag:s18], $0x200  }
0x26: {  	s19 =	sadd.s32 s19, s30;
	[sflag:s18] =	ssyncset.done $0x0  }
0x27: {  	s19 =	sadd.s32 $0x1200, s19;
	[sflag:s18] =	ssyncadd.s32 $0xFFFFFE00  }
0x28: {  	[hbm4b:s19+s4] =	stream.linear.scatter [tilespmem:s13], [sflag:$0x6], $0x200, $0x38;
	[tilespmem:$0x8E80] =	vst v63  }
0x29: {  	p0 =	sne.s32 s20, $0x0;
	_ =	swait.ge [sflag:s6], $0x200  }
0x2a: {  	s20 =	simm.s32 @!p0 $0x6;
	[sflag:s6] =	ssyncset.done $0x0  }
0x2b: {  	s21 =	simm.s32 @!p0 $0x0;
	s22 =	simm.s32 @!p0 $0x8600;
	[sflag:s6] =	ssyncadd.s32 $0xFFFFFE00  }
0x2c: {  	[tilespmem:s22], [sflag:$0x6] =	stream.linear.gather @!p0 [hbm4b:s3+s21], $0x40, $0x38;
	[tilespmem:$0x8E80] =	vst v63  }
0x2d: {  	_ =	swait.ge @!p0 [sflag:s20], $0x40  }
0x2e: {  	[sflag:s20] =	ssyncset.done @!p0 $0x0  }
0x2f: {  	s23 =	simm.s32 @!p0 $0x40;
	s24 =	simm.s32 @!p0 $0x8640;
	[sflag:s20] =	ssyncadd.s32 @!p0 $0xFFFFFFC0  }
0x30: {  	[tilespmem:s24], [sflag:$0x4] =	stream.indirect.gather @!p0 [hbm4b:s11+s23], $0x20, s22, s23, $0xb8;
	[tilespmem:$0x8E80] =	vst v63  }
0x31: {  	s25 =	simm.s32 @!p0 $0x8E40;
	s26 =	simm.s32 @!p0 $0x4  }
0x32: {  	[tilespmem:s25], [sflag:$0x5] =	stream.indirect.gather @!p0 [hbm4b:s2+s23], $0x1, s22, s23, $0xb8;
	[tilespmem:$0x8E80] =	vst v63  }
0x33: {  	_ =	swait.ge @!p0 [sflag:s26], $0x800  }
0x34: {  	s31 =	ssub.s32 $0x2, s29;
	[sflag:s26] =	ssyncset.done @!p0 $0x0  }
0x35: {  	s28 =	sadd.s32 $0x11A00, s30;
	s1 =	sshrl.u32 s31, $0x1;
	[sflag:s26] =	ssyncadd.s32 @!p0 $0xFFFFF800  }
0x36: {  	[hbm4b:s28+s21] =	stream.linear.scatter @!p0 [tilespmem:s24], [sflag:$0x6], $0x800, $0x38;
	[tilespmem:$0x8E80] =	vst v63  }
0x37: {  	s1 =	ssub.s32 s31, s1;
	_ =	swait.ge @!p0 [sflag:s20], $0x800  }
0x38: {  	s1 =	smax.u32 s1, $0x1;
	[sflag:s20] =	ssyncset.done @!p0 $0x0  }
0x39: {  	s29 =	simm.s32 @!p0 $0x5;
	s31 =	sadd.s32 $0xFFFFFFFF, s1;
	[sflag:s20] =	ssyncadd.s32 @!p0 $0xFFFFF800  }
0x3a: {  	p1 =	sne.s32 s31, $0x0;
	_ =	swait.ge @!p0 [sflag:s29], $0x40  }
.Ltmp0:
0x3b: {  	[sflag:s29] =	ssyncset.done @!p0 $0x0;
	(pc) =	sbr.rel @!p1 .LBB2_2-.Ltmp0, $4  }
0x3c: {  	s30 =	sadd.s32 $0x11C00, s30;
	[sflag:s29] =	ssyncadd.s32 @!p0 $0xFFFFFFC0  }
0x3d: {  	[hbm4b:s30+s21] =	stream.linear.scatter @!p0 [tilespmem:s25], [sflag:$0x6], $0x40, $0x38;
	[tilespmem:$0x8E80] =	vst v63  }
0x3e: {  	_ =	swait.ge @!p0 [sflag:s20], $0x40  }
0x3f: {  	[sflag:s20] =	ssyncset.done @!p0 $0x0  }
.LBB2_1:
0x40: {  	s31 =	sadd.s32 $0xFFFFFFFF, s31;
	[sflag:s20] =	ssyncadd.s32 @!p0 $0xFFFFFFC0  }
0x41: {  	[tilespmem:s4], [sflag:$0x6] =	stream.linear.gather [hbm4b:s5+s4], $0x200, $0x38;
	[tilespmem:$0x8E80] =	vst v63  }
0x42: {  	p1 =	sne.s32 s31, $0x0;
	_ =	swait.ge [sflag:s6], $0x200  }
0x43: {  	[sflag:s6] =	ssyncset.done $0x0  }
0x44: {  	[sflag:s6] =	ssyncadd.s32 $0xFFFFFE00  }
0x45: {  	[tilespmem:s8], [sflag:$0x6] =	stream.linear.gather [hbm4b:s7+s4], $0x200, $0x38;
	[tilespmem:$0x8E80] =	vst v63  }
0x46: {  	_ =	swait.ge [sflag:s6], $0x200  }
0x47: {  	[sflag:s6] =	ssyncset.done $0x0  }
0x48: {  	[sflag:s6] =	ssyncadd.s32 $0xFFFFFE00  }
0x49: {  	[tilespmem:s10], [sflag:$0x1] =	stream.indirect.gather [hbm4b:s9+s8], $0x20, s4, s8, $0xb8;
	[tilespmem:$0x8E80] =	vst v63  }
0x4a: {  	_ = 	snop  }
0x4b: {  	[tilespmem:s12], [sflag:$0x2] =	stream.indirect.gather [hbm4b:s11+s8], $0x20, s8, s8, $0xb8;
	[tilespmem:$0x8E80] =	vst v63  }
0x4c: {  	_ = 	snop  }
0x4d: {  	[tilespmem:s13], [sflag:$0x3] =	stream.indirect.gather [hbm4b:s2+s8], $0x1, s8, s8, $0xb8;
	[tilespmem:$0x8E80] =	vst v63  }
0x4e: {  	_ =	swait.ge [sflag:s14], $0x4000  }
0x4f: {  	[sflag:s14] =	ssyncset.done $0x0  }
0x50: {  	[sflag:s14] =	ssyncadd.s32 $0xFFFFC000  }
0x51: {  	[hbm4b:s15+s4] =	stream.linear.scatter [tilespmem:s10], [sflag:$0x6], $0x4000, $0x38;
	[tilespmem:$0x8E80] =	vst v63  }
0x52: {  	_ =	swait.ge [sflag:s6], $0x4000  }
0x53: {  	[sflag:s6] =	ssyncset.done $0x0  }
0x54: {  	[sflag:s6] =	ssyncadd.s32 $0xFFFFC000  }
0x55: {  	_ =	swait.ge [sflag:s16], $0x4000  }
0x56: {  	[sflag:s16] =	ssyncset.done $0x0  }
0x57: {  	[sflag:s16] =	ssyncadd.s32 $0xFFFFC000  }
0x58: {  	[hbm4b:s17+s4] =	stream.linear.scatter [tilespmem:s12], [sflag:$0x6], $0x4000, $0x38;
	[tilespmem:$0x8E80] =	vst v63  }
0x59: {  	_ =	swait.ge [sflag:s6], $0x4000  }
0x5a: {  	[sflag:s6] =	ssyncset.done $0x0  }
0x5b: {  	[sflag:s6] =	ssyncadd.s32 $0xFFFFC000  }
0x5c: {  	_ =	swait.ge [sflag:s18], $0x200  }
0x5d: {  	[sflag:s18] =	ssyncset.done $0x0  }
0x5e: {  	[sflag:s18] =	ssyncadd.s32 $0xFFFFFE00  }
0x5f: {  	[hbm4b:s19+s4] =	stream.linear.scatter [tilespmem:s13], [sflag:$0x6], $0x200, $0x38;
	[tilespmem:$0x8E80] =	vst v63  }
0x60: {  	_ =	swait.ge [sflag:s6], $0x200  }
0x61: {  	[sflag:s6] =	ssyncset.done $0x0  }
0x62: {  	[sflag:s6] =	ssyncadd.s32 $0xFFFFFE00  }
0x63: {  	[tilespmem:s22], [sflag:$0x6] =	stream.linear.gather @!p0 [hbm4b:s3+s21], $0x40, $0x38;
	[tilespmem:$0x8E80] =	vst v63  }
0x64: {  	_ =	swait.ge @!p0 [sflag:s20], $0x40  }
0x65: {  	[sflag:s20] =	ssyncset.done @!p0 $0x0  }
0x66: {  	[sflag:s20] =	ssyncadd.s32 @!p0 $0xFFFFFFC0  }
0x67: {  	[tilespmem:s24], [sflag:$0x4] =	stream.indirect.gather @!p0 [hbm4b:s11+s23], $0x20, s22, s23, $0xb8;
	[tilespmem:$0x8E80] =	vst v63  }
0x68: {  	_ = 	snop  }
0x69: {  	[tilespmem:s25], [sflag:$0x5] =	stream.indirect.gather @!p0 [hbm4b:s2+s23], $0x1, s22, s23, $0xb8;
	[tilespmem:$0x8E80] =	vst v63  }
0x6a: {  	_ =	swait.ge @!p0 [sflag:s26], $0x800  }
0x6b: {  	[sflag:s26] =	ssyncset.done @!p0 $0x0  }
0x6c: {  	[sflag:s26] =	ssyncadd.s32 @!p0 $0xFFFFF800  }
0x6d: {  	[hbm4b:s28+s21] =	stream.linear.scatter @!p0 [tilespmem:s24], [sflag:$0x6], $0x800, $0x38;
	[tilespmem:$0x8E80] =	vst v63  }
0x6e: {  	_ =	swait.ge @!p0 [sflag:s20], $0x800  }
0x6f: {  	[sflag:s20] =	ssyncset.done @!p0 $0x0  }
0x70: {  	[sflag:s20] =	ssyncadd.s32 @!p0 $0xFFFFF800  }
0x71: {  	_ =	swait.ge @!p0 [sflag:s29], $0x40  }
.Ltmp1:
0x72: {  	[sflag:s29] =	ssyncset.done @!p0 $0x0;
	(pc) =	sbr.rel @p1 .LBB2_1-.Ltmp1, $4  }
0x73: {  	[sflag:s29] =	ssyncadd.s32 @!p0 $0xFFFFFFC0  }
0x74: {  	[hbm4b:s30+s21] =	stream.linear.scatter @!p0 [tilespmem:s25], [sflag:$0x6], $0x40, $0x38;
	[tilespmem:$0x8E80] =	vst v63  }
0x75: {  	_ =	swait.ge @!p0 [sflag:s20], $0x40  }
0x76: {  	[sflag:s20] =	ssyncset.done @!p0 $0x0  }
.LBB2_2:
0x77: {  	[sflag:s20] =	ssyncadd.s32 @!p0 $0xFFFFFFC0  }
0x78: {  	_ =	sfence.sel $0x180000  }
0x79: {  	[bflag:$0x0] =	sbarrier.arrive $0xFFFF  }
0x7a: {  	_ =	strace $0x90000047  }
0x7b: {  	[bflag:$0x2] =	sbarrier.arrive $0xFFFF  }
0x7c: {  	p0 =	sne.s32 s0, $0x0;
	s0 =	rddreg [dreg:$0x6]  }
0x7d: {  	s0 =	sadd.s32 @!p0 $0x100000, s0  }
0x7e: {  	[sflag:s0] =	ssyncadd.tile.s32 @!p0 $0x1;
	_ =	shalt  }
.Lfunc_end2:
_tile_overlayer_lowered:
.L_overlay_start_2:
0x7f: {  	(tag) =	ssettag $0x2  }
0x80: {  	s0 =	rddreg [dreg:$0x0];
	s2 =	stileid.u32  }
0x81: {  	s1 =	rddreg [dreg:$0x1];
	p0 =	sne.s32 s2, $0x0  }
0x82: {  	s3 =	rddreg [dreg:$0x2];
	[bflag:$0x3] =	sbarrier.arrive $0xFFFF;
	s2 =	simm.s32 @!p0 $0x1C06  }
0x83: {  	[timem:s3], [sflag:s2] =	dma.local @!p0 [hbm:s0], s1  }
0x84: {  	s0 =	simm.s32 @!p0 $0x6  }
0x85: {  	_ =	swait.ge @!p0 [sflag:s0], s1  }
0x86: {  	s1 =	ssub.s32 @!p0 $0x0, s1;
	[sflag:s0] =	ssyncset.done @!p0 $0x0  }
0x87: {  	[sflag:s0] =	ssyncadd.s32 @!p0 s1  }
0x88: {  	[bflag:$0x3] =	sbarrier.arrive $0xFFFF  }
0x89: {  	_ =	shalt  }

</sc_bundles>
